<compile_context>
chip_gen: v7x
topology: tpu7x:2x2x1
jax: 0.10.2.dev20260603
libtpu: 0.0.44.dev20260713+nightly
codegen_flags: <defaults>
</compile_context>

<pallas_src>
import jax
import jax.numpy as jnp
from jax import lax
from jax.experimental import pallas as pl
from jax.experimental.pallas import tpu as pltpu
from jax.experimental.pallas import tpu_sc as plsc

B = 256
KD = 768
POOL = 100
EPL = 8
EMB = 768

_NC = 2
_NS = 16
_NW = _NC * _NS
_BPW = B // _NW


def _router_body(q_ref, nk_ref, idx_ref):
    scores = lax.dot_general(
        q_ref[...], nk_ref[...], (((1,), (1,)), ((), ())),
        preferred_element_type=jnp.float32)
    m = jnp.max(scores, axis=1, keepdims=True)
    ii = lax.broadcasted_iota(jnp.int32, scores.shape, 1)
    idx_ref[...] = jnp.min(jnp.where(scores >= m, ii, POOL), axis=1)


def _route(q, nk):
    return pl.pallas_call(
        _router_body,
        out_shape=jax.ShapeDtypeStruct((B,), jnp.int32),
    )(q, nk)


def _gather_body(tab_ref, idx_ref, outk_ref, outv_ref, idx_v, rows_v,
                 sem, semk, semv):
    wid = lax.axis_index("s") * _NC + lax.axis_index("c")
    base = wid * _BPW
    pltpu.sync_copy(idx_ref.at[pl.ds(base, _BPW)], idx_v)
    pltpu.async_copy(tab_ref.at[idx_v], rows_v, sem).wait()
    ck = pltpu.make_async_copy(rows_v.at[:, pl.ds(0, EPL // 2)],
                               outk_ref.at[pl.ds(base, _BPW)], semk)
    cv = pltpu.make_async_copy(rows_v.at[:, pl.ds(EPL // 2, EPL // 2)],
                               outv_ref.at[pl.ds(base, _BPW)], semv)
    ck.start()
    cv.start()
    ck.wait()
    cv.wait()


def _gather(tab, idx):
    mesh = plsc.VectorSubcoreMesh(core_axis_name="c", subcore_axis_name="s")
    f = pl.kernel(
        _gather_body,
        mesh=mesh,
        out_type=[jax.ShapeDtypeStruct((B, EPL // 2, EMB), jnp.float32),
                  jax.ShapeDtypeStruct((B, EPL // 2, EMB), jnp.float32)],
        scratch_types=[pltpu.VMEM((_BPW,), jnp.int32),
                       pltpu.VMEM((_BPW, EPL, EMB), jnp.float32),
                       pltpu.SemaphoreType.DMA,
                       pltpu.SemaphoreType.DMA,
                       pltpu.SemaphoreType.DMA],
    )
    return f(tab, idx)


def kernel(x_querry, l, x_block, e_k, e_p):
    n_k = e_k / jnp.maximum(jnp.linalg.norm(e_k, axis=1, keepdims=True), 1e-12)
    q = x_querry / jnp.maximum(
        jnp.linalg.norm(x_querry, axis=1, keepdims=True), 1e-12)
    idx = _route(q, n_k)
    Ek, Ev = _gather(e_p, idx)
    return (Ek, Ev, x_block)

# --- scband reference (transcript-rebuilt; emitter-appended) ---
"""Pipeline reference for scband-dual-prompt-55439437857142 (READ-ONLY COPY).

The authoritative reference and input builder live on the scoring server;
editing this copy changes nothing except your own understanding.
"""

import jax, jax.numpy as jnp
import numpy as np


def setup_inputs(seed: int = 0) -> dict:
    key = jax.random.key(seed)
    k1, k2, k3, k4 = jax.random.split(key, 4)
    B = 256
    key_d = 768
    emb_d = 768
    pool = 100
    e_p_len = 8
    x_querry = jax.random.normal(k1, (B, key_d), dtype=jnp.float32)
    x_block = jax.random.normal(k2, (B, 197, emb_d), dtype=jnp.float32)
    # learned params per __init__: e_k_2 [pool, key_d], e_p_2 [pool, e_p_len, emb_d], init uniform_
    e_k = jax.random.uniform(k3, (pool, key_d), dtype=jnp.float32)
    e_p = jax.random.uniform(k4, (pool, e_p_len, emb_d), dtype=jnp.float32)
    return {"x_querry": x_querry, "l": 2, "x_block": x_block, "e_k": e_k, "e_p": e_p}


def reference(x_querry, l, x_block, e_k, e_p):
    # DualPrompt.forward with train=False, hepco=False, prompt_type='l2p', top_k=1.
    # l=2 is in e_layers=[2,3,4], not in g_layers=[0,1] -> e_valid path only.
    # n_K = F.normalize(K, dim=1); q = F.normalize(x_querry, dim=1).detach()
    n_K = e_k / jnp.maximum(jnp.linalg.norm(e_k, axis=1, keepdims=True), 1e-12)
    q = x_querry / jnp.maximum(jnp.linalg.norm(x_querry, axis=1, keepdims=True), 1e-12)
    q = jax.lax.stop_gradient(q)
    cos_sim = jnp.einsum('bj,kj->bk', q, n_K)
    # top_k = torch.topk(cos_sim, 1, dim=1); P_ = p[k_idx][:, 0]
    _, k_idx = jax.lax.top_k(cos_sim, 1)  # [B, 1]
    P_ = jnp.take(e_p, k_idx[:, 0], axis=0)  # [B, e_p_len, emb_d]
    i = e_p.shape[1] // 2
    Ek = P_[:, :i, :]
    Ev = P_[:, i:, :]
    # returns (p_return=[Ek, Ev], 0, x_block); flatten tensors into a tuple
    return (Ek, Ev, x_block)

if __name__ == "__main__":
    import jax
    _d = setup_inputs()
    print(jax.jit(kernel)(*tuple(_d.values())))

</pallas_src>

<mosaic_0001>
#map = affine_map<(d0, d1) -> (0, 0, 0)>
#map1 = affine_map<(d0, d1) -> (0)>
module attributes {stable_mosaic.version = 14 : i64} {
  func.func @_gather_body(%arg0: i32, %arg1: i32, %arg2: memref<100x8x768xf32, #tpu.memory_space<hbm>>, %arg3: memref<256xi32, #tpu.memory_space<hbm>>, %arg4: memref<256x4x768xf32, #tpu.memory_space<hbm>>, %arg5: memref<256x4x768xf32, #tpu.memory_space<hbm>>, %arg6: memref<8xi32, #tpu.memory_space<vmem>>, %arg7: memref<8x8x768xf32, #tpu.memory_space<vmem>>, %arg8: memref<!tpu.dma_semaphore, #tpu.memory_space<semaphore_mem>>, %arg9: memref<!tpu.dma_semaphore, #tpu.memory_space<semaphore_mem>>, %arg10: memref<!tpu.dma_semaphore, #tpu.memory_space<semaphore_mem>>) attributes {dimension_semantics = [#tpu.dimension_semantics<core_parallel>, #tpu.dimension_semantics<subcore_parallel>], iteration_bounds = array<i64: 2, 16>, scalar_prefetch = 0 : i64, scratch_operands = 5 : i64, tpu.core_type = #tpu.core_type<sc_vector_subcore>, window_params = [{transform_indices = #map}, {transform_indices = #map1}, {transform_indices = #map}, {transform_indices = #map}]} {
    %mul3A = arith.constant 2 : i32
    %mul3A_0 = arith.muli %arg1, %mul3A : i32
    %add3A = arith.addi %mul3A_0, %arg0 : i32
    %mul3A_1 = arith.constant 8 : i32
    %mul3A_2 = arith.muli %add3A, %mul3A_1 : i32
    "tpu.region"() ({
      %run_scoped3A = tpu.sem_alloc : memref<!tpu.dma_semaphore, #tpu.memory_space<semaphore_mem>>
      %dma_start3A_65 = tpu.memref_slice %arg3[%mul3A_2] : memref<256xi32, #tpu.memory_space<hbm>> -> memref<8xi32, #tpu.memory_space<hbm>>
      %dma_start3A_66 = tpu.memref_slice %arg3[%mul3A_2] : memref<256xi32, #tpu.memory_space<hbm>> -> memref<8xi32, #tpu.memory_space<hbm>>
      tpu.enqueue_dma source(%dma_start3A_66 : memref<8xi32, #tpu.memory_space<hbm>>) target(%arg6 : memref<8xi32, #tpu.memory_space<vmem>>) target_semaphore(%run_scoped3A : memref<!tpu.dma_semaphore, #tpu.memory_space<semaphore_mem>>)
      %dma_wait3A_67 = tpu.memref_slice %arg3[%mul3A_2] : memref<256xi32, #tpu.memory_space<hbm>> -> memref<8xi32, #tpu.memory_space<hbm>>
      %dma_wait3A_68 = tpu.memref_slice %arg3[%mul3A_2] : memref<256xi32, #tpu.memory_space<hbm>> -> memref<8xi32, #tpu.memory_space<hbm>>
      tpu.wait_dma2 semaphore(%run_scoped3A : memref<!tpu.dma_semaphore, #tpu.memory_space<semaphore_mem>>) src(%dma_wait3A_68 : memref<8xi32, #tpu.memory_space<hbm>>) dst(%arg6 : memref<8xi32, #tpu.memory_space<vmem>>)
      tpu.yield
    }) : () -> ()
    %dma_start3A = arith.constant 0 : i32
    %dma_start3A_3 = arith.constant 0 : i32
    %dma_start3A_4 = arith.constant 0 : i32
    %dma_start3A_5 = tpu.memref_slice %arg2[%dma_start3A, %dma_start3A_3, %dma_start3A_4] : memref<100x8x768xf32, #tpu.memory_space<hbm>> -> memref<100x8x768xf32, #tpu.memory_space<hbm>>
    tpu.enqueue_indirect_dma source(%dma_start3A_5 : memref<100x8x768xf32, #tpu.memory_space<hbm>>) target(%arg7 : memref<8x8x768xf32, #tpu.memory_space<vmem>>) offsets(%arg6 : memref<8xi32, #tpu.memory_space<vmem>>) semaphore(%arg8 : memref<!tpu.dma_semaphore, #tpu.memory_space<semaphore_mem>>)
    %dma_wait3A = arith.constant 0 : i32
    %dma_wait3A_6 = arith.constant 0 : i32
    %dma_wait3A_7 = arith.constant 0 : i32
    %dma_wait3A_8 = tpu.memref_slice %arg2[%dma_wait3A, %dma_wait3A_6, %dma_wait3A_7] : memref<100x8x768xf32, #tpu.memory_space<hbm>> -> memref<100x8x768xf32, #tpu.memory_space<hbm>>
    tpu.wait_indirect_dma semaphore(%arg8 : memref<!tpu.dma_semaphore, #tpu.memory_space<semaphore_mem>>) src(%dma_wait3A_8 : memref<100x8x768xf32, #tpu.memory_space<hbm>>) dst(%arg7 : memref<8x8x768xf32, #tpu.memory_space<vmem>>)
    %dma_start3A_9 = arith.constant 0 : i32
    %dma_start3A_10 = arith.constant 0 : i32
    %dma_start3A_11 = arith.constant 0 : i32
    %dma_start3A_12 = tpu.memref_slice %arg7[%dma_start3A_9, %dma_start3A_10, %dma_start3A_11] : memref<8x8x768xf32, #tpu.memory_space<vmem>> -> memref<8x4x768xf32, #tpu.memory_space<vmem>>
    %dma_start3A_13 = arith.constant 0 : i32
    %dma_start3A_14 = arith.constant 0 : i32
    %dma_start3A_15 = tpu.memref_slice %arg4[%mul3A_2, %dma_start3A_13, %dma_start3A_14] : memref<256x4x768xf32, #tpu.memory_space<hbm>> -> memref<8x4x768xf32, #tpu.memory_space<hbm>>
    %dma_start3A_16 = arith.constant 0 : i32
    %dma_start3A_17 = arith.constant 0 : i32
    %dma_start3A_18 = tpu.memref_slice %arg4[%mul3A_2, %dma_start3A_16, %dma_start3A_17] : memref<256x4x768xf32, #tpu.memory_space<hbm>> -> memref<8x4x768xf32, #tpu.memory_space<hbm>>
    %dma_start3A_19 = arith.constant 0 : i32
    %dma_start3A_20 = arith.constant 0 : i32
    %dma_start3A_21 = arith.constant 0 : i32
    %dma_start3A_22 = tpu.memref_slice %arg7[%dma_start3A_19, %dma_start3A_20, %dma_start3A_21] : memref<8x8x768xf32, #tpu.memory_space<vmem>> -> memref<8x4x768xf32, #tpu.memory_space<vmem>>
    tpu.enqueue_dma source(%dma_start3A_22 : memref<8x4x768xf32, #tpu.memory_space<vmem>>) target(%dma_start3A_18 : memref<8x4x768xf32, #tpu.memory_space<hbm>>) target_semaphore(%arg9 : memref<!tpu.dma_semaphore, #tpu.memory_space<semaphore_mem>>)
    %dma_start3A_23 = arith.constant 0 : i32
    %dma_start3A_24 = arith.constant 4 : i32
    %dma_start3A_25 = arith.constant 0 : i32
    %dma_start3A_26 = tpu.memref_slice %arg7[%dma_start3A_23, %dma_start3A_24, %dma_start3A_25] : memref<8x8x768xf32, #tpu.memory_space<vmem>> -> memref<8x4x768xf32, #tpu.memory_space<vmem>>
    %dma_start3A_27 = arith.constant 0 : i32
    %dma_start3A_28 = arith.constant 0 : i32
    %dma_start3A_29 = tpu.memref_slice %arg5[%mul3A_2, %dma_start3A_27, %dma_start3A_28] : memref<256x4x768xf32, #tpu.memory_space<hbm>> -> memref<8x4x768xf32, #tpu.memory_space<hbm>>
    %dma_start3A_30 = arith.constant 0 : i32
    %dma_start3A_31 = arith.constant 0 : i32
    %dma_start3A_32 = tpu.memref_slice %arg5[%mul3A_2, %dma_start3A_30, %dma_start3A_31] : memref<256x4x768xf32, #tpu.memory_space<hbm>> -> memref<8x4x768xf32, #tpu.memory_space<hbm>>
    %dma_start3A_33 = arith.constant 0 : i32
    %dma_start3A_34 = arith.constant 4 : i32
    %dma_start3A_35 = arith.constant 0 : i32
    %dma_start3A_36 = tpu.memref_slice %arg7[%dma_start3A_33, %dma_start3A_34, %dma_start3A_35] : memref<8x8x768xf32, #tpu.memory_space<vmem>> -> memref<8x4x768xf32, #tpu.memory_space<vmem>>
    tpu.enqueue_dma source(%dma_start3A_36 : memref<8x4x768xf32, #tpu.memory_space<vmem>>) target(%dma_start3A_32 : memref<8x4x768xf32, #tpu.memory_space<hbm>>) target_semaphore(%arg10 : memref<!tpu.dma_semaphore, #tpu.memory_space<semaphore_mem>>)
    %dma_wait3A_37 = arith.constant 0 : i32
    %dma_wait3A_38 = arith.constant 0 : i32
    %dma_wait3A_39 = arith.constant 0 : i32
    %dma_wait3A_40 = tpu.memref_slice %arg7[%dma_wait3A_37, %dma_wait3A_38, %dma_wait3A_39] : memref<8x8x768xf32, #tpu.memory_space<vmem>> -> memref<8x4x768xf32, #tpu.memory_space<vmem>>
    %dma_wait3A_41 = arith.constant 0 : i32
    %dma_wait3A_42 = arith.constant 0 : i32
    %dma_wait3A_43 = tpu.memref_slice %arg4[%mul3A_2, %dma_wait3A_41, %dma_wait3A_42] : memref<256x4x768xf32, #tpu.memory_space<hbm>> -> memref<8x4x768xf32, #tpu.memory_space<hbm>>
    %dma_wait3A_44 = arith.constant 0 : i32
    %dma_wait3A_45 = arith.constant 0 : i32
    %dma_wait3A_46 = tpu.memref_slice %arg4[%mul3A_2, %dma_wait3A_44, %dma_wait3A_45] : memref<256x4x768xf32, #tpu.memory_space<hbm>> -> memref<8x4x768xf32, #tpu.memory_space<hbm>>
    %dma_wait3A_47 = arith.constant 0 : i32
    %dma_wait3A_48 = arith.constant 0 : i32
    %dma_wait3A_49 = arith.constant 0 : i32
    %dma_wait3A_50 = tpu.memref_slice %arg7[%dma_wait3A_47, %dma_wait3A_48, %dma_wait3A_49] : memref<8x8x768xf32, #tpu.memory_space<vmem>> -> memref<8x4x768xf32, #tpu.memory_space<vmem>>
    tpu.wait_dma2 semaphore(%arg9 : memref<!tpu.dma_semaphore, #tpu.memory_space<semaphore_mem>>) src(%dma_wait3A_50 : memref<8x4x768xf32, #tpu.memory_space<vmem>>) dst(%dma_wait3A_46 : memref<8x4x768xf32, #tpu.memory_space<hbm>>)
    %dma_wait3A_51 = arith.constant 0 : i32
    %dma_wait3A_52 = arith.constant 4 : i32
    %dma_wait3A_53 = arith.constant 0 : i32
    %dma_wait3A_54 = tpu.memref_slice %arg7[%dma_wait3A_51, %dma_wait3A_52, %dma_wait3A_53] : memref<8x8x768xf32, #tpu.memory_space<vmem>> -> memref<8x4x768xf32, #tpu.memory_space<vmem>>
    %dma_wait3A_55 = arith.constant 0 : i32
    %dma_wait3A_56 = arith.constant 0 : i32
    %dma_wait3A_57 = tpu.memref_slice %arg5[%mul3A_2, %dma_wait3A_55, %dma_wait3A_56] : memref<256x4x768xf32, #tpu.memory_space<hbm>> -> memref<8x4x768xf32, #tpu.memory_space<hbm>>
    %dma_wait3A_58 = arith.constant 0 : i32
    %dma_wait3A_59 = arith.constant 0 : i32
    %dma_wait3A_60 = tpu.memref_slice %arg5[%mul3A_2, %dma_wait3A_58, %dma_wait3A_59] : memref<256x4x768xf32, #tpu.memory_space<hbm>> -> memref<8x4x768xf32, #tpu.memory_space<hbm>>
    %dma_wait3A_61 = arith.constant 0 : i32
    %dma_wait3A_62 = arith.constant 4 : i32
    %dma_wait3A_63 = arith.constant 0 : i32
    %dma_wait3A_64 = tpu.memref_slice %arg7[%dma_wait3A_61, %dma_wait3A_62, %dma_wait3A_63] : memref<8x8x768xf32, #tpu.memory_space<vmem>> -> memref<8x4x768xf32, #tpu.memory_space<vmem>>
    tpu.wait_dma2 semaphore(%arg10 : memref<!tpu.dma_semaphore, #tpu.memory_space<semaphore_mem>>) src(%dma_wait3A_64 : memref<8x4x768xf32, #tpu.memory_space<vmem>>) dst(%dma_wait3A_60 : memref<8x4x768xf32, #tpu.memory_space<hbm>>)
    return
  }
}

module attributes {stable_mosaic.version = 14 : i64} {
  func.func @_router_body(%arg0: memref<256x768xf32, #tpu.memory_space<vmem>>, %arg1: memref<100x768xf32, #tpu.memory_space<vmem>>, %arg2: memref<256xi32, #tpu.memory_space<vmem>>) attributes {dimension_semantics = [], scalar_prefetch = 0 : i64, scratch_operands = 0 : i64, tpu.core_type = #tpu.core_type<tc>} {
    %get3A = arith.constant 0 : index
    %get3A_0 = arith.constant 0 : index
    %get3A_1 = vector.load %arg0[%get3A, %get3A_0] : memref<256x768xf32, #tpu.memory_space<vmem>>, vector<256x768xf32>
    %get3A_2 = arith.constant 0 : index
    %get3A_3 = arith.constant 0 : index
    %get3A_4 = vector.load %arg1[%get3A_2, %get3A_3] : memref<100x768xf32, #tpu.memory_space<vmem>>, vector<100x768xf32>
    %dot_general3A = arith.constant dense<0.000000e+00> : vector<256x100xf32>
    %dot_general3A_5 = tpu.matmul %get3A_1, %get3A_4, %dot_general3A {dimension_numbers = #tpu.dot_dimension_numbers<[1], [1], [0], [0], [0, 0, 1, 0], [], []>, transpose_lhs_hint = false} : vector<256x768xf32>, vector<100x768xf32>, vector<256x100xf32> -> vector<256x100xf32>
    %reduce_max3A = arith.constant dense<0xFF800000> : vector<256xf32>
    %reduce_max3A_6 = vector.multi_reduction <maximumf>, %dot_general3A_5, %reduce_max3A [1] : vector<256x100xf32> to vector<256xf32>
    %broadcast_in_dim3A = vector.shape_cast %reduce_max3A_6 : vector<256xf32> to vector<256x1xf32>
    %iota3A = tpu.iota {dimensions = array<i32: 1>} : vector<256x100xi32>
    %ge3A = vector.broadcast %broadcast_in_dim3A : vector<256x1xf32> to vector<256x100xf32>
    %ge3A_7 = arith.cmpf oge, %dot_general3A_5, %ge3A : vector<256x100xf32>
    %jit3A = arith.constant 100 : i32
    %broadcast_in_dim3A_8 = vector.broadcast %jit3A : i32 to vector<256x100xi32>
    %select_n3A = arith.select %ge3A_7, %iota3A, %broadcast_in_dim3A_8 : vector<256x100xi1>, vector<256x100xi32>
    %reduce_min3A = arith.constant dense<2147483647> : vector<256xi32>
    %reduce_min3A_9 = vector.multi_reduction <minsi>, %select_n3A, %reduce_min3A [1] : vector<256x100xi32> to vector<256xi32>
    %swap3A = arith.constant 0 : index
    %swap3A_10 = vector.load %arg2[%swap3A] : memref<256xi32, #tpu.memory_space<vmem>>, vector<256xi32>
    tpu.vector_store %arg2[%swap3A], %reduce_min3A_9 {strides = array<i32>} : memref<256xi32, #tpu.memory_space<vmem>>, vector<256xi32>,
    return
  }
}

</mosaic_0001>

<sc_bundles>
// kernel: kernel.4.cloned.1.call-start
scs
__scs_entry_jumppad:
0x0: {  	(pc) =	sbr.rel $0x88, $3  }
0x1: {  	(tag) =	ssettag $0x0;
	lr =	simm.s32 $0x1  }
0x2: {  	[smem:$0x3F9D] =	sst lr;
	_ =	strace $0xD0000000  }
0x3: {  	_ = 	snop  }
0x4: {  	_ = 	snop  }
0x5: {  	_ = 	snop  }
0x6: {  	_ = 	snop  }
0x7: {  	_ = 	snop  }
__scs_overlays_trampoline_lowered:
0x8: {  	[smem:$0x3FAC] =	sst s0  }
0x9: {  	[smem:$0x3FAD] =	sst s1  }
0xa: {  	[smem:$0x3FAE] =	sst s2  }
0xb: {  	[smem:$0x3FAF] =	sst s3  }
0xc: {  	[smem:$0x3FB0] =	sst s4  }
0xd: {  	[smem:$0x3FB1] =	sst s5  }
0xe: {  	[smem:$0x3FB2] =	sst s6  }
0xf: {  	[smem:$0x3FB3] =	sst s7  }
0x10: {  	[smem:$0x3FB4] =	sst s8  }
0x11: {  	[smem:$0x3FB5] =	sst s9;
	s0 =	simm.s32 @!p0 $0x0  }
0x12: {  	s1 =	sld [smem:$0x3F9B];
	s0 =	simm.s32 @p0 $0x1  }
0x13: {  	[smem:$0x3FB6] =	sst s0;
	s0 =	simm.s32 @!p1 $0x0  }
0x14: {  	s2 =	sld [smem:$0x3F9A];
	s0 =	simm.s32 @p1 $0x1  }
0x15: {  	[smem:$0x3FB7] =	sst s0;
	s0 =	simm.s32 @!p2 $0x0  }
0x16: {  	s3 =	sld [smem:$0x3FDB];
	s0 =	simm.s32 @p2 $0x1  }
0x17: {  	s4 =	simm.s32 $0x1BF5;
	[smem:$0x3FB9] =	sst s0  }
0x18: {  	s0 =	sld [smem:$0x3F9C];
	_ =	swait.ge [sflag:s4], $0x0  }
0x19: {  	s7 =	sld [smem:$0x3F9D]  }
0x1a: {  	s8 =	sadd.s32 $0xFFFFE003, lr  }
0x1b: {  	s9 =	sadd.s32 $0xFFFFFEF7, lr;
	s5 =	simm.s32 $0xFFFFFFFF;
	p2 =	slt.u32 s8, $0xFFFFF086  }
0x1c: {  	p1 =	slt.u32 s9, $0xF7A;
	s5 =	simm.s32 @!p2 $0x0  }
0x1d: {  	s5 =	simm.s32 @p1 $0x1;
	p0 =	seq.s32 s7, s2  }
0x1e: {  	s7 =	smul.u32 @!p0 $0xF7A, s2;
	p2 =	seq.s32 @!p0 s5, $0x0  }
0x1f: {  	s9 =	smul.u32 $0xF7A, s1;
	s8 =	simm.s32 @!p0 $0x1BF5;
	p2 =	por !p2, p0  }
0x20: {  	[sflag:s8] =	ssyncset.s32 @!p0 $0xFFFFF086;
	s6 =	sadd.s32 @!p0 s3, s7;
	s7 =	simm.s32 @!p0 $0x108  }
0x21: {  	s3 =	sadd.s32 s3, s9;
	s6 =	sadd.s32 @!p0 $0x88, s6;
	s7 =	simm.s32 @p2 $0x1082  }
0x22: {  	[simem:s7], [sflag:s8] =	dma.local @!p0 [hbm:s6], $0xF7A  }
0x23: {  	s9 =	sor.u32 $0xD0000000, s2;
	s6 =	simm.s32 $0x108;
	_ =	swait.ge @!p0 [sflag:s8], $0x0  }
0x24: {  	s3 =	sadd.s32 $0x88, s3;
	s6 =	simm.s32 @!p1 $0x1082;
	[sflag:s4] =	ssyncset.s32 $0xFFFFF086  }
0x25: {  	[simem:s6], [sflag:s4] =	dma.local [hbm:s3], $0xF7A  }
0x26: {  	[smem:$0x3F9D] =	sst s1;
	(tag) =	ssettag s2;
	_ =	strace s9  }
0x27: {  	s1 =	sld [smem:$0x3FAD]  }
0x28: {  	s2 =	sld [smem:$0x3FAE]  }
0x29: {  	s4 =	sld [smem:$0x3FB0]  }
0x2a: {  	p0 =	seq.s32 s5, $0x0;
	s5 =	sld [smem:$0x3FB1]  }
0x2b: {  	s6 =	sld [smem:$0x3FB2]  }
0x2c: {  	s7 =	sld [smem:$0x3FB3]  }
0x2d: {  	s3 =	simm.s32 $0x108;
	s8 =	sld [smem:$0x3FB4]  }
0x2e: {  	s3 =	simm.s32 @!p0 $0x1082;
	s9 =	sld [smem:$0x3FB5]  }
0x2f: {  	lr =	sadd.s32 s0, s3;
	s0 =	sld [smem:$0x3FAC]  }
0x30: {  	s3 =	sld [smem:$0x3FAF]  }
0x31: {  	[smem:$0x3FB8] =	sst s10  }
0x32: {  	s10 =	sld [smem:$0x3FB6];
	_ =	sdelay $0x3  }
0x33: {  	p0 =	seq.s32 s10, $0x1;
	s10 =	sld [smem:$0x3FB8];
	_ =	sdelay $0x3  }
0x34: {  	[smem:$0x3FB8] =	sst s10  }
0x35: {  	s10 =	sld [smem:$0x3FB7];
	_ =	sdelay $0x3  }
0x36: {  	p1 =	seq.s32 s10, $0x1;
	s10 =	sld [smem:$0x3FB8];
	_ =	sdelay $0x3  }
0x37: {  	[smem:$0x3FB8] =	sst s10  }
0x38: {  	s10 =	sld [smem:$0x3FB9]  }
0x39: {  	_ = 	snop;
	(pc) =	sbr.ind lr, $3  }
0x3a: {  	_ = 	snop  }
0x3b: {  	_ = 	snop  }
0x3c: {  	p2 =	seq.s32 s10, $0x1;
	s10 =	sld [smem:$0x3FB8]  }
0x3d: {  	_ =	shalt  }
0x3e: {  	_ =	shalt  }
0x3f: {  	_ =	shalt  }
0x40: {  	_ =	shalt  }
0x41: {  	_ =	shalt  }
0x42: {  	_ =	shalt  }
0x43: {  	_ =	shalt  }
0x44: {  	_ =	shalt  }
0x45: {  	_ =	shalt  }
0x46: {  	_ =	shalt  }
0x47: {  	_ =	shalt  }
0x48: {  	_ =	shalt  }
0x49: {  	_ =	shalt  }
0x4a: {  	_ =	shalt  }
0x4b: {  	_ =	shalt  }
0x4c: {  	_ =	shalt  }
0x4d: {  	_ =	shalt  }
0x4e: {  	_ =	shalt  }
0x4f: {  	_ =	shalt  }
0x50: {  	_ =	shalt  }
0x51: {  	_ =	shalt  }
0x52: {  	_ =	shalt  }
0x53: {  	_ =	shalt  }
0x54: {  	_ =	shalt  }
0x55: {  	_ =	shalt  }
0x56: {  	_ =	shalt  }
0x57: {  	_ =	shalt  }
0x58: {  	_ =	shalt  }
0x59: {  	_ =	shalt  }
0x5a: {  	_ =	shalt  }
0x5b: {  	_ =	shalt  }
0x5c: {  	_ =	shalt  }
0x5d: {  	_ =	shalt  }
0x5e: {  	_ =	shalt  }
0x5f: {  	_ =	shalt  }
0x60: {  	_ =	shalt  }
0x61: {  	_ =	shalt  }
0x62: {  	_ =	shalt  }
0x63: {  	_ =	shalt  }
0x64: {  	_ =	shalt  }
0x65: {  	_ =	shalt  }
0x66: {  	_ =	shalt  }
0x67: {  	_ =	shalt  }
0x68: {  	_ =	shalt  }
0x69: {  	_ =	shalt  }
0x6a: {  	_ =	shalt  }
0x6b: {  	_ =	shalt  }
0x6c: {  	_ =	shalt  }
0x6d: {  	_ =	shalt  }
0x6e: {  	_ =	shalt  }
0x6f: {  	_ =	shalt  }
0x70: {  	_ =	shalt  }
0x71: {  	_ =	shalt  }
0x72: {  	_ =	shalt  }
0x73: {  	_ =	shalt  }
0x74: {  	_ =	shalt  }
0x75: {  	_ =	shalt  }
0x76: {  	_ =	shalt  }
0x77: {  	_ =	shalt  }
0x78: {  	_ =	shalt  }
0x79: {  	_ =	shalt  }
0x7a: {  	_ =	shalt  }
0x7b: {  	_ =	shalt  }
0x7c: {  	_ =	shalt  }
0x7d: {  	_ =	shalt  }
0x7e: {  	_ =	shalt  }
0x7f: {  	_ =	shalt  }
0x80: {  	_ =	shalt  }
0x81: {  	_ =	shalt  }
0x82: {  	_ =	shalt  }
0x83: {  	_ =	shalt  }
0x84: {  	_ =	shalt  }
0x85: {  	_ =	shalt  }
0x86: {  	_ =	shalt  }
0x87: {  	_ =	shalt  }
.Lfunc_end0:
.L_simem_size_0:
called_computation_lowered:
.L_overlay_start_0:
0x88: {  	s2 =	sld [smem:$0x3FD9]  }
0x89: {  	s3 =	sld [smem:$0x3FFE];
	_ =	sdelay $0x1  }
0x8a: {  	s1 =	srdreg.scid  }
0x8b: {  	s0 =	sand.u32 $0x1, s1  }
0x8c: {  	s15 =	sshll.u32 s0, $0xA;
	s2 =	sadd.s32 s3, s2  }
0x8d: {  	s2 =	sadd.s32 s2, s15  }
0x8e: {  	[smem:$0x3FC4] =	sst s2  }
0x8f: {  	_ = 	snop  }
0x90: {  	s2 =	sld [smem:$0x3FD0];
	_ =	sdelay $0x2  }
0x91: {  	s4 =	simm.s32 $0xA;
	s5 =	simm.s32 $0x10;
	s16 =	sld [smem:$0x3FC6]  }
0x92: {  	[smem:s5], [sflag:s4] =	dma.local [hbm:s2], $0x1  }
0x93: {  	_ =	swait.eq [sflag:s4], $0x1  }
0x94: {  	s17 =	sld [smem:$0x10];
	[sflag:s4] =	ssyncset.done $0x0  }
0x95: {  	s18 =	sld [smem:$0x11];
	[sflag:s4] =	ssyncadd.s32 $0xFFFFFFFF  }
0x96: {  	s19 =	sld [smem:$0x12];
	(tm) =	ssettm $0x1  }
0x97: {  	s6 =	sld [smem:$0x3FFB];
	_ =	sdelay $0x3  }
0x98: {  	_ =	strace s6  }
0x99: {  	s6 =	sld [smem:$0x3FFC];
	_ =	sdelay $0x3  }
0x9a: {  	_ =	strace s6  }
0x9b: {  	s6 =	sld [smem:$0x3FFD];
	_ =	sdelay $0x3  }
0x9c: {  	_ =	strace s6  }
0x9d: {  	_ =	strace $0x8FFFFFFF  }
0x9e: {  	s20 =	sld [smem:$0x3FDB];
	_ =	sdelay $0x1  }
0x9f: {  	s7 =	simm.s32 $_scs_section_size  }
0xa0: {  	s8 =	simm.s32 $_size__tile_overlayer_lowered;
	s9 =	simm.s32 $_tile_overlayer_lowered  }
0xa1: {  	s23 =	simm.s32 $0x1BFF;
	s22 =	sshll.u32 s9, $0x1;
	s6 =	sadd.s32 s7, s20  }
0xa2: {  	s10 =	simm.s32 $0x0;
	s21 =	sshll.u32 s8, $0x1;
	s8 =	sadd.s32 s22, s6  }
0xa3: {  	[timem:s10], [sflag:s23] =	dma.local [hbm:s8], s21  }
0xa4: {  	_ =	swait.ge [sflag:s23], s21  }
0xa5: {  	s7 =	ssub.s32 $0x0, s21;
	[sflag:s23] =	ssyncset.done $0x0  }
0xa6: {  	[sflag:s23] =	ssyncadd.s32 s7;
	_ =	sdelay $0x1  }
0xa7: {  	s24 =	simm.s32 $0x1B8B  }
0xa8: {  	_ =	swait.ge [sflag:s24], $0x1  }
0xa9: {  	[sflag:s24] =	ssyncset.done $0x0  }
0xaa: {  	s25 =	simm.s32 $0x1B8E;
	[sflag:s24] =	ssyncadd.s32 $0xFFFFFFFF  }
0xab: {  	s26 =	simm.s32 $execute0_lowered;
	[smem:$0x3FD2] =	sst s25  }
0xac: {  	s7 =	sshll.u32 s26, $0x1;
	_ =	strace $0x80000046;
	[dreg:$0x1] =	wrdreg $0xFFFFFFFF  }
0xad: {  	s28 =	simm.s32 $_size_execute0_lowered;
	s6 =	sadd.s32 s6, s7;
	[dreg:$0x0] =	wrdreg $0x0  }
0xae: {  	s7 =	sshll.u32 s28, $0x1;
	[dreg:$0x2] =	wrdreg s6  }
0xaf: {  	[dreg:$0x3] =	wrdreg s7  }
0xb0: {  	[dreg:$0x4] =	wrdreg $0xC0  }
0xb1: {  	_ =	task [dreg:s10], $0x5FFFF  }
0xb2: {  	[dreg:$0x1] =	wrdreg $0xFFFFFFFF  }
0xb3: {  	[dreg:$0x0] =	wrdreg $0x60  }
0xb4: {  	[dreg:$0x2] =	wrdreg s16  }
0xb5: {  	[dreg:$0x3] =	wrdreg s19  }
0xb6: {  	[dreg:$0x4] =	wrdreg s17  }
0xb7: {  	[dreg:$0x5] =	wrdreg s18  }
0xb8: {  	[dreg:$0x6] =	wrdreg $0x9  }
0xb9: {  	_ =	task.clear_ibuf [dreg:s10], $0x7FFFF;
	_ =	strace $0x90000046  }
0xba: {  	s29 =	simm.s32 $0x9;
	_ =	strace $0x80000048  }
0xbb: {  	_ =	swait.ge [sflag:s29], $0x1  }
0xbc: {  	[sflag:s29] =	ssyncadd.s32 $0xFFFFFFFF  }
0xbd: {  	_ =	strace $0x90000048  }
0xbe: {  	_ =	sfence  }
0xbf: {  	s30 =	sld [smem:$0x0];
	_ =	sdelay $0x2  }
0xc0: {  	s31 =	sshll.u32 s1, $0xD;
	s1 =	sshrl.u32 s1, $0x2  }
0xc1: {  	s3 =	sand.u32 $0x4000, s31;
	s1 =	sadd.s32 s1, s30  }
0xc2: {  	s0 =	sor.u32 s3, s0;
	s1 =	sshll.u32 s1, $0x11  }
0xc3: {  	s0 =	sor.u32 s1, s0  }
0xc4: {  	s0 =	sadd.s32 $0x8F2B, s0  }
0xc5: {  	[sflag:s0] =	ssyncadd.remote.s32 $0x1  }
0xc6: {  	_ =	sfence.sel $0xFFFF  }
0xc7: {  	[dreg:$0x0] =	wrdreg $0xFFFFFFFF;
	(pc) =	sbr.abs _section_cstart, $3  }
0xc8: {  	[dreg:$0x1] =	wrdreg $0xFFFFFFFF  }
0xc9: {  	_ =	task.clear_ibuf [dreg:s10], $0x2FFFF;
	_ =	strace $0x9FFFFFFF  }
0xca: {  	(tm) =	ssettm $0x7FFFFFFF  }
0xcb: {  	_ =	shalt  }
tec
execute0_lowered:
.L_overlay_start_1:
0x0: {  	(tag) =	ssettag $0x1  }
0x1: {  	s0 =	rddreg [dreg:$0x0]  }
0x2: {  	s4 =	rddreg [dreg:$0x1]  }
0x3: {  	s5 =	rddreg [dreg:$0x2];
	s1 =	srdreg.scid  }
0x4: {  	s6 =	rddreg [dreg:$0x3];
	s2 =	stileid.u32;
	s3 =	simm.s32 $0x0  }
0x5: {  	s11 =	simm.s32 $0x3;
	s7 =	sand.u32 $0x1, s1;
	s1 =	rddreg [dreg:$0x4]  }
0x6: {  	s12 =	simm.s32 $0x0;
	s8 =	sshll.u32 s2, $0x4;
	[smem:$0x7FF] =	sst s3  }
0x7: {  	s9 =	sshll.u32 s7, $0x3;
	s7 =	ssub.s32 $0x2, s7;
	_ =	strace $0x80000047  }
0x8: {  	s8 =	sor.u32 s9, s8;
	s31 =	sshrl.u32 s7, $0x1;
	s9 =	simm.s32 $0x1  }
0x9: {  	s10 =	smul.u32 $0x180, s8;
	s7 =	ssub.s32 s7, s31;
	s8 =	sshrl.u32 s8, $0x3  }
0xa: {  	s4 =	sadd.s32 s4, s8;
	s7 =	smax.u32 s7, $0x1;
	s8 =	simm.s32 $0x4  }
0xb: {  	vm0 =	vmmov $0xff;
	v0 =	vlaneseq.u32;
	s5 =	sadd.s32 s5, s10;
	s6 =	sadd.s32 s6, s10;
	s10 =	simm.s32 $0x2  }
.LBB2_1:
0xc: {  	[tilespmem:s3], [sflag:$0x4] =	stream.linear.gather [hbm4b:s4+s3], $0x8, $0x38;
	[tilespmem:$0xC080] =	vst v63  }
0xd: {  	_ =	swait.ge [sflag:s8], $0x8  }
0xe: {  	[sflag:s8] =	ssyncset.done $0x0  }
0xf: {  	[sflag:s8] =	ssyncadd.s32 $0xFFFFFFF8  }
0x10: {  	v1 =	vld.msk [tilespmem:$0x0], $0xff;
	_ =	sdelay $0x4  }
0x11: {  	v1 =	vmul.u32 $0x1800, v1;
	_ =	sdelay $0x1  }
0x12: {  	v1 =	vperm.xlane v1, v0;
	_ =	sdelay $0x4  }
0x13: {  	s13 =	simm.s32 $0x80  }
0x14: {  	[tilespmem:s13], [sflag:$0x1] =	stream.indirect_vreg.gather [hbm4b:s0+s3], $0x1800, v1, vm0, $0x38;
	[tilespmem:$0xC080] =	vst v63  }
0x15: {  	_ =	swait.ge [sflag:s9], $0xC000  }
0x16: {  	s14 =	simm.s32 $0x40;
	[sflag:s9] =	ssyncset.done $0x0  }
0x17: {  	s16 =	sadd.s32 $0x0, s5;
	s15 =	simm.s32 $0x480;
	[sflag:s9] =	ssyncadd.s32 $0xFFFF4000  }
.LBB2_2:
0x18: {  	[hbm4b:s16+s3] =	stream.linear.scatter [tilespmem:s13], [sflag:$0x2], $0x200, $0x38;
	[tilespmem:$0xC080] =	vst v63  }
0x19: {  	s16 =	smov.u32 s14;
	s13 =	smov.u32 s15;
	p0 =	sne.s32 s14, $0xBC0  }
.Ltmp0:
0x1a: {  	s14 =	sadd.s32 $0x40, s14;
	(pc) =	sbr.rel @p0 .LBB2_2-.Ltmp0, $2  }
0x1b: {  	_ =	sdelay $0x2  }
0x1c: {  	s15 =	sadd.s32 $0x400, s15;
	s16 =	sadd.s32 s16, s5  }
0x1d: {  	[hbm4b:s16+s3] =	stream.linear.scatter [tilespmem:s13], [sflag:$0x2], $0x200, $0x38;
	[tilespmem:$0xC080] =	vst v63  }
0x1e: {  	s13 =	simm.s32 $0x280  }
0x1f: {  	s14 =	simm.s32 $0x40;
	s16 =	sadd.s32 $0x0, s6;
	s15 =	simm.s32 $0x680  }
.LBB2_4:
0x20: {  	[hbm4b:s16+s3] =	stream.linear.scatter [tilespmem:s13], [sflag:$0x3], $0x200, $0x38;
	[tilespmem:$0xC080] =	vst v63  }
0x21: {  	s16 =	smov.u32 s14;
	s13 =	smov.u32 s15;
	p0 =	sne.s32 s14, $0xBC0  }
.Ltmp1:
0x22: {  	s14 =	sadd.s32 $0x40, s14;
	(pc) =	sbr.rel @p0 .LBB2_4-.Ltmp1, $2  }
0x23: {  	_ =	sdelay $0x2  }
0x24: {  	s15 =	sadd.s32 $0x400, s15;
	s16 =	sadd.s32 s16, s6  }
0x25: {  	[hbm4b:s16+s3] =	stream.linear.scatter [tilespmem:s13], [sflag:$0x3], $0x200, $0x38;
	[tilespmem:$0xC080] =	vst v63  }
0x26: {  	s12 =	sadd.s32 $0x1, s12  }
0x27: {  	_ =	swait.ge [sflag:s10], $0x6000;
	p0 =	sne.s32 s12, s7  }
.Ltmp2:
0x28: {  	[sflag:s10] =	ssyncset.done $0x0;
	(pc) =	sbr.rel @p0 .LBB2_1-.Ltmp2, $4  }
0x29: {  	[sflag:s10] =	ssyncadd.s32 $0xFFFFA000  }
0x2a: {  	_ =	swait.ge [sflag:s11], $0x6000  }
0x2b: {  	[sflag:s11] =	ssyncset.done $0x0  }
0x2c: {  	[sflag:s11] =	ssyncadd.s32 $0xFFFFA000  }
0x2d: {  	_ =	sfence.sel $0x180000  }
0x2e: {  	[bflag:$0x0] =	sbarrier.arrive $0xFFFF  }
0x2f: {  	p0 =	sne.s32 s2, $0x0;
	_ =	strace $0x90000047  }
0x30: {  	s0 =	sadd.s32 @!p0 $0x100000, s1;
	[bflag:$0x2] =	sbarrier.arrive $0xFFFF  }
0x31: {  	[sflag:s0] =	ssyncadd.tile.s32 @!p0 $0x1;
	_ =	shalt  }
.Lfunc_end2:
_tile_overlayer_lowered:
.L_overlay_start_2:
0x32: {  	(tag) =	ssettag $0x2  }
0x33: {  	s0 =	rddreg [dreg:$0x0];
	s2 =	stileid.u32  }
0x34: {  	s1 =	rddreg [dreg:$0x1];
	p0 =	sne.s32 s2, $0x0  }
0x35: {  	s3 =	rddreg [dreg:$0x2];
	[bflag:$0x3] =	sbarrier.arrive $0xFFFF;
	s2 =	simm.s32 @!p0 $0x1C04  }
0x36: {  	[timem:s3], [sflag:s2] =	dma.local @!p0 [hbm:s0], s1  }
0x37: {  	s0 =	simm.s32 @!p0 $0x4  }
0x38: {  	_ =	swait.ge @!p0 [sflag:s0], s1  }
0x39: {  	s1 =	ssub.s32 @!p0 $0x0, s1;
	[sflag:s0] =	ssyncset.done @!p0 $0x0  }
0x3a: {  	[sflag:s0] =	ssyncadd.s32 @!p0 s1  }
0x3b: {  	[bflag:$0x3] =	sbarrier.arrive $0xFFFF  }
0x3c: {  	_ =	shalt  }

</sc_bundles>
